<compile_context>
chip_gen: v7x
topology: tpu7x:2x2x1
jax: 0.10.2.dev20260603
libtpu: 0.0.44.dev20260713+nightly
codegen_flags: <defaults>
</compile_context>

<pallas_src>
import jax
import jax.numpy as jnp
from jax.experimental import pallas as pl

_TOD_SIZE = 288
_DOW_SIZE = 7


def _emb_block_kernel(pack_ref, node_ref, tod_ref, dow_ref, out_ref):
    n = pack_ref.shape[-1]
    pidx = pack_ref[0, 0, :]
    tod_idx = jnp.bitwise_and(pidx, 511)
    dow_idx = jax.lax.shift_right_logical(pidx, 9)

    iota_tod = jax.lax.broadcasted_iota(jnp.int32, (n, _TOD_SIZE), 1)
    oh_tod = (tod_idx[:, None] == iota_tod).astype(jnp.bfloat16)
    iota_dow = jax.lax.broadcasted_iota(jnp.int32, (n, 8), 1)
    oh_dow = (dow_idx[:, None] == iota_dow).astype(jnp.bfloat16)

    mm = (jnp.dot(oh_tod, tod_ref[...], preferred_element_type=jnp.float32)
          + jnp.dot(oh_dow, dow_ref[...], preferred_element_type=jnp.float32))
    out_ref[0] = mm + node_ref[...]


def kernel(x, node_emb, time_of_day_emb, day_of_week_emb):
    B, T, N, _ = x.shape
    D_node = node_emb.shape[1]
    D_tod = time_of_day_emb.shape[1]
    D_dow = day_of_week_emb.shape[1]
    D = D_dow + D_tod + D_node
    BT = B * T

    tod_idx = (x[:, :, :, 1] * float(_TOD_SIZE)).astype(jnp.int32)
    dow_idx = (x[:, :, :, 2] * float(_DOW_SIZE)).astype(jnp.int32)
    pack = (tod_idx + (dow_idx << 9)).reshape(BT, 1, N)

    tod96 = (jnp.zeros((_TOD_SIZE, D), jnp.float32)
             .at[:, D_dow:D_dow + D_tod].set(time_of_day_emb)
             .astype(jnp.bfloat16))
    dow96 = (jnp.zeros((8, D), jnp.float32)
             .at[:_DOW_SIZE, :D_dow].set(day_of_week_emb)
             .astype(jnp.bfloat16))
    node_wide = (jnp.zeros((N, D), jnp.float32)
                 .at[:, D_dow + D_tod:].set(node_emb))

    out = pl.pallas_call(
        _emb_block_kernel,
        grid=(BT,),
        in_specs=[
            pl.BlockSpec((1, 1, N), lambda i: (i, 0, 0)),
            pl.BlockSpec((N, D), lambda i: (0, 0)),
            pl.BlockSpec((_TOD_SIZE, D), lambda i: (0, 0)),
            pl.BlockSpec((8, D), lambda i: (0, 0)),
        ],
        out_specs=pl.BlockSpec((1, N, D), lambda i: (i, 0, 0)),
        out_shape=jax.ShapeDtypeStruct((BT, N, D), jnp.float32),
    )(pack, node_wide, tod96, dow96)

    return out.reshape(B, T, N, D)

# --- scband reference (transcript-rebuilt; emitter-appended) ---
"""Pipeline reference for scband-semantic-embedding-30305289241090 (READ-ONLY COPY).

The authoritative reference and input builder live on the scoring server;
editing this copy changes nothing except your own understanding.
"""

import jax, jax.numpy as jnp
import numpy as np

B, T, N, F = 64, 12, 2048, 3
NODE_DIM = 32
TEMP_DIM_TID = 32
TEMP_DIM_DIW = 32
TIME_OF_DAY_SIZE = 288
DAY_OF_WEEK_SIZE = 7


def _xavier(key, shape):
    bound = float(np.sqrt(6.0 / (shape[0] + shape[1])))
    return jax.random.uniform(key, shape, dtype=jnp.float32, minval=-bound, maxval=bound)


def setup_inputs(seed: int = 0) -> dict:
    key = jax.random.key(seed)
    k1, k2, k3, k4 = jax.random.split(key, 4)
    x = jax.random.uniform(k1, (B, T, N, F), dtype=jnp.float32)
    node_emb = _xavier(k2, (N, NODE_DIM))
    time_of_day_emb = _xavier(k3, (TIME_OF_DAY_SIZE, TEMP_DIM_TID))
    day_of_week_emb = _xavier(k4, (DAY_OF_WEEK_SIZE, TEMP_DIM_DIW))
    return {"x": x, "node_emb": node_emb, "time_of_day_emb": time_of_day_emb, "day_of_week_emb": day_of_week_emb}


def reference(x, node_emb, time_of_day_emb, day_of_week_emb):
    batch_size, num_t, num_v, num_f = x.shape
    # time-of-day embedding: torch loops i in range(12), gathers per-step, stacks on dim=3
    # -> equivalent to gather over the first 12 timesteps then moving the time axis last
    t_o_d = jax.lax.stop_gradient(x[:, :12, :, 1])
    tod_idx = (t_o_d * TIME_OF_DAY_SIZE).astype(jnp.int32)  # [B, 12, N]
    tod_gather = jnp.take(time_of_day_emb, tod_idx, axis=0)  # [B, 12, N, D_tid]
    tod_e = jnp.transpose(tod_gather, (0, 2, 3, 1))  # [B, N, D_tid, 12]
    # day-of-week embedding
    d_o_w = jax.lax.stop_gradient(x[:, :12, :, 2])
    dow_idx = (d_o_w * DAY_OF_WEEK_SIZE).astype(jnp.int32)  # [B, 12, N]
    dow_gather = jnp.take(day_of_week_emb, dow_idx, axis=0)  # [B, 12, N, D_diw]
    dow_e = jnp.transpose(dow_gather, (0, 2, 3, 1))  # [B, N, D_diw, 12]
    # spatial node embedding: expanded over batch, stacked 12x on last dim, then permute(0,2,1,3)
    node_e = jnp.broadcast_to(node_emb[None, :, :, None], (batch_size, num_v, node_emb.shape[1], 12))  # [B, N, D_node, 12]
    sem_emb = jnp.concatenate([dow_e, tod_e, node_e], axis=2)  # [B, N, D_diw+D_tid+D_node, 12]
    sem_emb = jnp.transpose(sem_emb, (0, 3, 1, 2))  # [B, 12, N, D_total]
    return sem_emb

if __name__ == "__main__":
    import jax
    _d = setup_inputs()
    print(jax.jit(kernel)(*tuple(_d.values())))

</pallas_src>

<mosaic_0001>
module attributes {stable_mosaic.version = 14 : i64} {
  func.func @_emb_block_kernel(%arg0: i32, %arg1: memref<1x1x2048xi32, #tpu.memory_space<vmem>>, %arg2: memref<2048x96xf32, #tpu.memory_space<vmem>>, %arg3: memref<288x96xbf16, #tpu.memory_space<vmem>>, %arg4: memref<8x96xbf16, #tpu.memory_space<vmem>>, %arg5: memref<1x2048x96xf32, #tpu.memory_space<vmem>>) attributes {dimension_semantics = [#tpu.dimension_semantics<arbitrary>], iteration_bounds = array<i64: 768>, scalar_prefetch = 0 : i64, scratch_operands = 0 : i64, tpu.core_type = #tpu.core_type<tc>, window_params = [{transform_indices = @transform_0, window_bounds = array<i64: 1, 1, 2048>}, {pipeline_mode = #tpu.pipeline_mode<synchronous>, transform_indices = @transform_1, window_bounds = array<i64: 2048, 96>}, {pipeline_mode = #tpu.pipeline_mode<synchronous>, transform_indices = @transform_2, window_bounds = array<i64: 288, 96>}, {pipeline_mode = #tpu.pipeline_mode<synchronous>, transform_indices = @transform_3, window_bounds = array<i64: 8, 96>}, {transform_indices = @transform_4, window_bounds = array<i64: 1, 2048, 96>}]} {
    %get3A = arith.constant 0 : index
    %get3A_0 = arith.constant 0 : index
    %get3A_1 = arith.constant 0 : index
    %get3A_2 = vector.load %arg1[%get3A, %get3A_0, %get3A_1] : memref<1x1x2048xi32, #tpu.memory_space<vmem>>, vector<1x1x2048xi32>
    %get3A_3 = vector.shape_cast %get3A_2 : vector<1x1x2048xi32> to vector<2048xi32>
    %and3A = arith.constant 511 : i32
    %and3A_4 = vector.broadcast %and3A : i32 to vector<2048xi32>
    %and3A_5 = arith.andi %get3A_3, %and3A_4 : vector<2048xi32>
    %shift_right_logical3A = arith.constant 9 : i32
    %shift_right_logical3A_6 = vector.broadcast %shift_right_logical3A : i32 to vector<2048xi32>
    %shift_right_logical3A_7 = arith.shrui %get3A_3, %shift_right_logical3A_6 : vector<2048xi32>
    %iota3A = tpu.iota {dimensions = array<i32: 1>} : vector<2048x288xi32>
    %broadcast_in_dim3A = vector.shape_cast %and3A_5 : vector<2048xi32> to vector<2048x1xi32>
    %eq3A = vector.broadcast %broadcast_in_dim3A : vector<2048x1xi32> to vector<2048x288xi32>
    %eq3A_8 = arith.cmpi eq, %eq3A, %iota3A : vector<2048x288xi32>
    %convert_element_type3A = arith.extui %eq3A_8 : vector<2048x288xi1> to vector<2048x288xi32>
    %convert_element_type3A_9 = arith.sitofp %convert_element_type3A : vector<2048x288xi32> to vector<2048x288xf32>
    %convert_element_type3A_10 = arith.truncf %convert_element_type3A_9 : vector<2048x288xf32> to vector<2048x288xbf16>
    %iota3A_11 = tpu.iota {dimensions = array<i32: 1>} : vector<2048x8xi32>
    %broadcast_in_dim3A_12 = vector.shape_cast %shift_right_logical3A_7 : vector<2048xi32> to vector<2048x1xi32>
    %eq3A_13 = vector.broadcast %broadcast_in_dim3A_12 : vector<2048x1xi32> to vector<2048x8xi32>
    %eq3A_14 = arith.cmpi eq, %eq3A_13, %iota3A_11 : vector<2048x8xi32>
    %convert_element_type3A_15 = arith.extui %eq3A_14 : vector<2048x8xi1> to vector<2048x8xi32>
    %convert_element_type3A_16 = arith.sitofp %convert_element_type3A_15 : vector<2048x8xi32> to vector<2048x8xf32>
    %convert_element_type3A_17 = arith.truncf %convert_element_type3A_16 : vector<2048x8xf32> to vector<2048x8xbf16>
    %get3A_18 = arith.constant 0 : index
    %get3A_19 = arith.constant 0 : index
    %get3A_20 = vector.load %arg3[%get3A_18, %get3A_19] : memref<288x96xbf16, #tpu.memory_space<vmem>>, vector<288x96xbf16>
    %dot_general3A = arith.constant dense<0.000000e+00> : vector<2048x96xf32>
    %dot_general3A_21 = tpu.matmul %convert_element_type3A_10, %get3A_20, %dot_general3A {dimension_numbers = #tpu.dot_dimension_numbers<[1], [0], [0], [1], [0, 0, 1, 1], [], []>, transpose_lhs_hint = false} : vector<2048x288xbf16>, vector<288x96xbf16>, vector<2048x96xf32> -> vector<2048x96xf32>
    %get3A_22 = arith.constant 0 : index
    %get3A_23 = arith.constant 0 : index
    %get3A_24 = vector.load %arg4[%get3A_22, %get3A_23] : memref<8x96xbf16, #tpu.memory_space<vmem>>, vector<8x96xbf16>
    %dot_general3A_25 = arith.constant dense<0.000000e+00> : vector<2048x96xf32>
    %dot_general3A_26 = tpu.matmul %convert_element_type3A_17, %get3A_24, %dot_general3A_25 {dimension_numbers = #tpu.dot_dimension_numbers<[1], [0], [0], [1], [0, 0, 1, 1], [], []>, transpose_lhs_hint = false} : vector<2048x8xbf16>, vector<8x96xbf16>, vector<2048x96xf32> -> vector<2048x96xf32>
    %add3A = arith.addf %dot_general3A_21, %dot_general3A_26 : vector<2048x96xf32>
    %get3A_27 = arith.constant 0 : index
    %get3A_28 = arith.constant 0 : index
    %get3A_29 = vector.load %arg2[%get3A_27, %get3A_28] : memref<2048x96xf32, #tpu.memory_space<vmem>>, vector<2048x96xf32>
    %add3A_30 = arith.addf %add3A, %get3A_29 : vector<2048x96xf32>
    %swap3A = arith.constant 0 : index
    %swap3A_31 = arith.constant 0 : index
    %swap3A_32 = arith.constant 0 : index
    %swap3A_33 = vector.load %arg5[%swap3A, %swap3A_31, %swap3A_32] : memref<1x2048x96xf32, #tpu.memory_space<vmem>>, vector<1x2048x96xf32>
    %swap3A_34 = vector.shape_cast %swap3A_33 : vector<1x2048x96xf32> to vector<2048x96xf32>
    %swap3A_35 = vector.shape_cast %add3A_30 : vector<2048x96xf32> to vector<1x2048x96xf32>
    tpu.vector_store %arg5[%swap3A, %swap3A_31, %swap3A_32], %swap3A_35 {strides = array<i32>} : memref<1x2048x96xf32, #tpu.memory_space<vmem>>, vector<1x2048x96xf32>,
    return
  }
  func.func @transform_0(%arg0: i32) -> (i32, i32, i32) {
    %c0_i32 = arith.constant 0 : i32
    %c0_i32_0 = arith.constant 0 : i32
    %c0_i32_1 = arith.constant 0 : i32
    return %arg0, %c0_i32, %c0_i32_0 : i32, i32, i32
  }
  func.func @transform_1(%arg0: i32) -> (i32, i32) {
    %c0_i32 = arith.constant 0 : i32
    %c0_i32_0 = arith.constant 0 : i32
    %c0_i32_1 = arith.constant 0 : i32
    return %c0_i32, %c0_i32_0 : i32, i32
  }
  func.func @transform_2(%arg0: i32) -> (i32, i32) {
    %c0_i32 = arith.constant 0 : i32
    %c0_i32_0 = arith.constant 0 : i32
    %c0_i32_1 = arith.constant 0 : i32
    return %c0_i32, %c0_i32_0 : i32, i32
  }
  func.func @transform_3(%arg0: i32) -> (i32, i32) {
    %c0_i32 = arith.constant 0 : i32
    %c0_i32_0 = arith.constant 0 : i32
    %c0_i32_1 = arith.constant 0 : i32
    return %c0_i32, %c0_i32_0 : i32, i32
  }
  func.func @transform_4(%arg0: i32) -> (i32, i32, i32) {
    %c0_i32 = arith.constant 0 : i32
    %c0_i32_0 = arith.constant 0 : i32
    %c0_i32_1 = arith.constant 0 : i32
    return %arg0, %c0_i32, %c0_i32_0 : i32, i32, i32
  }
}

</mosaic_0001>

<sc_bundles>
// kernel: sparse-core-data-format-call.cloned.1.call-start
scs
called_computation_lowered:
.L_overlay_start_0:
0x0: {  	s2 =	sld [smem:$0x3FD9]  }
0x1: {  	s3 =	sld [smem:$0x3FFE];
	_ =	sdelay $0x1  }
0x2: {  	s1 =	srdreg.scid  }
0x3: {  	s0 =	sand.u32 $0x1, s1  }
0x4: {  	s18 =	sshll.u32 s0, $0xA;
	s2 =	sadd.s32 s3, s2  }
0x5: {  	s2 =	sadd.s32 s2, s18  }
0x6: {  	[smem:$0x3FC4] =	sst s2  }
0x7: {  	_ = 	snop  }
0x8: {  	s2 =	sld [smem:$0x3FD0];
	(tm) =	ssettm $0x1  }
0x9: {  	s19 =	sld [smem:$0x3FFB];
	_ =	sdelay $0x3  }
0xa: {  	_ =	strace s19  }
0xb: {  	s3 =	sld [smem:$0x3FFC];
	_ =	sdelay $0x3  }
0xc: {  	_ =	strace s3  }
0xd: {  	s3 =	sld [smem:$0x3FFD];
	_ =	sdelay $0x3  }
0xe: {  	_ =	strace s3  }
0xf: {  	_ =	strace $0x8FFFFFFF  }
0x10: {  	s20 =	sld [smem:$0x3FDB];
	_ =	sdelay $0x1  }
0x11: {  	s4 =	simm.s32 $_scs_section_size  }
0x12: {  	s5 =	simm.s32 $_size__tile_overlayer_lowered;
	s6 =	simm.s32 $_tile_overlayer_lowered  }
0x13: {  	s23 =	simm.s32 $0x1BFF;
	s22 =	sshll.u32 s6, $0x1;
	s3 =	sadd.s32 s4, s20  }
0x14: {  	s7 =	simm.s32 $0x0;
	s21 =	sshll.u32 s5, $0x1;
	s5 =	sadd.s32 s22, s3  }
0x15: {  	[timem:s7], [sflag:s23] =	dma.local [hbm:s5], s21  }
0x16: {  	_ =	swait.ge [sflag:s23], s21  }
0x17: {  	s4 =	ssub.s32 $0x0, s21;
	[sflag:s23] =	ssyncset.done $0x0  }
0x18: {  	[sflag:s23] =	ssyncadd.s32 s4;
	_ =	sdelay $0x1  }
0x19: {  	s24 =	simm.s32 $0x1B8B  }
0x1a: {  	_ =	swait.ge [sflag:s24], $0x1  }
0x1b: {  	[sflag:s24] =	ssyncset.done $0x0  }
0x1c: {  	s26 =	simm.s32 $0x1B8E;
	s25 =	sld [smem:$0x3FFE];
	[sflag:s24] =	ssyncadd.s32 $0xFFFFFFFF  }
0x1d: {  	s27 =	simm.s32 $execute0_lowered;
	[smem:$0x3FD2] =	sst s26  }
0x1e: {  	s5 =	sshll.u32 s27, $0x1;
	_ =	strace $0x80000046;
	[dreg:$0x1] =	wrdreg $0xFFFFFFFF  }
0x1f: {  	s28 =	simm.s32 $_size_execute0_lowered;
	s3 =	sadd.s32 s3, s5;
	[dreg:$0x0] =	wrdreg $0x0  }
0x20: {  	s5 =	sshll.u32 s28, $0x1;
	[dreg:$0x2] =	wrdreg s3  }
0x21: {  	[dreg:$0x3] =	wrdreg s5  }
0x22: {  	[dreg:$0x4] =	wrdreg $0xC0  }
0x23: {  	_ =	task [dreg:s7], $0x5FFFF  }
0x24: {  	[dreg:$0x1] =	wrdreg $0xFFFFFFFF  }
0x25: {  	[dreg:$0x0] =	wrdreg $0x60  }
0x26: {  	[dreg:$0x2] =	wrdreg s25  }
0x27: {  	[dreg:$0x3] =	wrdreg s2  }
0x28: {  	[dreg:$0x4] =	wrdreg $0x9  }
0x29: {  	_ =	task.clear_ibuf [dreg:s7], $0x5FFFF;
	_ =	strace $0x90000046  }
0x2a: {  	s29 =	simm.s32 $0x9;
	_ =	strace $0x80000048  }
0x2b: {  	_ =	swait.ge [sflag:s29], $0x1  }
0x2c: {  	[sflag:s29] =	ssyncadd.s32 $0xFFFFFFFF  }
0x2d: {  	_ =	strace $0x90000048  }
0x2e: {  	_ =	sfence  }
0x2f: {  	s30 =	sld [smem:$0x0];
	_ =	sdelay $0x2  }
0x30: {  	s31 =	sshll.u32 s1, $0xD;
	s1 =	sshrl.u32 s1, $0x2  }
0x31: {  	s3 =	sand.u32 $0x4000, s31;
	s1 =	sadd.s32 s1, s30  }
0x32: {  	s0 =	sor.u32 s3, s0;
	s1 =	sshll.u32 s1, $0x11  }
0x33: {  	s0 =	sor.u32 s1, s0  }
0x34: {  	s0 =	sadd.s32 $0x8F2B, s0  }
0x35: {  	[sflag:s0] =	ssyncadd.remote.s32 $0x1  }
0x36: {  	_ =	sfence.sel $0xFFFF  }
0x37: {  	[dreg:$0x0] =	wrdreg $0xFFFFFFFF;
	(pc) =	sbr.abs _section_cstart, $3  }
0x38: {  	[dreg:$0x1] =	wrdreg $0xFFFFFFFF  }
0x39: {  	_ =	task.clear_ibuf [dreg:s7], $0x2FFFF;
	_ =	strace $0x9FFFFFFF  }
0x3a: {  	(tm) =	ssettm $0x7FFFFFFF  }
0x3b: {  	_ =	shalt  }
tec
execute0_lowered:
.L_overlay_start_1:
0x0: {  	(tag) =	ssettag $0x1  }
0x1: {  	s2 =	rddreg [dreg:$0x0]  }
0x2: {  	s3 =	rddreg [dreg:$0x1]  }
0x3: {  	s0 =	rddreg [dreg:$0x2];
	s1 =	srdreg.scid;
	_ =	strace $0x80000047  }
0x4: {  	s6 =	simm.s32 $0x2;
	s14 =	simm.s32 $0x0;
	p0 =	por $0x0, $0x0  }
0x5: {  	s15 =	simm.s32 $0x0;
	s16 =	simm.s32 $0x0;
	s7 =	simm.s32 $0x0  }
.Ltmp0:
0x6: {  	s9 =	simm.s32 $0x0;
	s10 =	simm.s32 $0x0;
	(pc) =	sbr.rel .LBB1_1-.Ltmp0, $4  }
0x7: {  	s11 =	simm.s32 $0x0;
	s12 =	simm.s32 $0x0;
	s4 =	sshll.u32 s1, $0x4  }
0x8: {  	s1 =	stileid.u32;
	s5 =	sand.u32 $0x10, s4;
	s4 =	simm.s32 $0x1  }
0x9: {  	s8 =	simm.s32 $0x0;
	s5 =	sor.u32 s1, s5;
	[sflag:s4] =	ssyncpa.u1 $0x0  }
0xa: {  	[sflag:s6] =	ssyncpa.u1 $0x0;
	s6 =	simm.s32 $0x4000;
	s13 =	smov.u32 s5  }
.LBB1_5:
0xb: {  	p1 =	slt.u32 s8, $0x2;
	s17 =	smov.u32 s16  }
0xc: {  	p2 =	sgt.s32 @!p1 s16, $0x3F;
	s18 =	sshra.s32 @!p1 s16, $0x1F;
	s19 =	sshra.s32 @!p1 s15, $0x1F  }
0xd: {  	p2 =	por !p2, p1;
	s16 =	sand.u32 @!p1 s18, s16;
	s18 =	smov.u32 s15  }
0xe: {  	s17 =	simm.s32 @p2 $0x3F;
	p2 =	sgt.s32 @!p1 s15, $0xB;
	s15 =	sand.u32 @!p1 s19, s15  }
0xf: {  	s19 =	sshra.s32 @!p1 s14, $0x1F;
	s16 =	ssub.s32 @!p1 s17, s16;
	p3 =	por !p2, p1  }
0x10: {  	s17 =	sadd.s32 @!p1 $0xFFFFFFC1, s16;
	s18 =	simm.s32 @p3 $0xB;
	s16 =	ssub.s32 @!p1 $0x40, s16  }
0x11: {  	p3 =	sgt.s32 @!p1 s14, $0x780;
	p2 =	sgt.s32 @!p1 s17, $0x0;
	s15 =	ssub.s32 @!p1 s18, s15  }
0x12: {  	p3 =	por !p3, p1;
	s18 =	smov.u32 s14;
	s14 =	sand.u32 @!p1 s19, s14  }
0x13: {  	s16 =	smul.u32 @!p1 $0x60, s16;
	s17 =	sadd.s32 @!p1 $0xFFFFFFF5, s15;
	s18 =	simm.s32 @p3 $0x780  }
0x14: {  	s15 =	ssub.s32 @!p1 $0xC, s15;
	p3 =	sgt.s32 @!p1 s17, $0x0;
	s14 =	ssub.s32 @!p1 s18, s14  }
0x15: {  	p2 =	por !p2, p1;
	p3 =	por !p3, p1;
	s17 =	sadd.s32 @!p1 $0xFFFFF880, s14  }
0x16: {  	s16 =	simm.s32 @!p2 $0x0;
	s15 =	simm.s32 @!p3 $0x0;
	p3 =	sgt.s32 @!p1 s17, $0x7F  }
0x17: {  	s14 =	ssub.s32 @!p1 $0x800, s14;
	p2 =	por !p3, p1;
	s15 =	smul.u32 @!p1 s15, s16  }
0x18: {  	s17 =	sadd.s32 $0x80, s11;
	s14 =	simm.s32 @!p2 $0x0  }
0x19: {  	p2 =	sgt.s32 s17, $0x7FF;
	s14 =	smul.u32 @!p1 s14, s15;
	s15 =	simm.s32 $0x1  }
0x1a: {  	s15 =	simm.s32 @!p2 $0x0  }
0x1b: {  	s19 =	sadd.s32 s15, s12  }
0x1c: {  	s20 =	smov.u32 s13;
	s15 =	sadd.s32 $0x20, s13;
	p3 =	sgt.s32 s19, $0xB  }
0x1d: {  	s8 =	sadd.s32 $0x1, s8;
	p0 =	por !p0, !p0;
	s20 =	smov.u32 @p3 s15  }
0x1e: {  	s18 =	simm.s32 @!p1 $0x2;
	s17 =	simm.s32 @p2 $0x0;
	p2 =	sgt.s32 s20, $0x3F  }
0x1f: {  	s16 =	smov.u32 s10;
	s20 =	smov.u32 @p2 s5;
	p2 =	sne.s32 s8, $0x182  }
.Ltmp1:
0x20: {  	s10 =	smov.u32 s13;
	s14 =	sand.u32 @!p1 $0x3FFFFFE0, s14;
	(pc) =	sbr.rel @!p2 .LBB1_6-.Ltmp1, $4  }
0x21: {  	_ =	swait.ge @!p1 [sflag:s18], s14;
	s21 =	ssub.s32 @!p1 $0x0, s14;
	s14 =	smov.u32 s7  }
0x22: {  	s7 =	smov.u32 s11;
	s11 =	smov.u32 s17;
	[sflag:s18] =	ssyncset.done @!p1 $0x0  }
0x23: {  	s15 =	smov.u32 s9;
	s19 =	simm.s32 @p3 $0x0;
	s9 =	smov.u32 s12  }
0x24: {  	[sflag:s18] =	ssyncadd.s32 @!p1 s21;
	s12 =	smov.u32 s19;
	s13 =	smov.u32 s20  }
.LBB1_1:
0x25: {  	p1 =	sgt.u32 s8, $0x17F  }
0x26: {  	s17 =	smul.u32 @!p1 $0x60000, s13  }
0x27: {  	s18 =	sxor.u32 @!p1 $0xFFFFFFFF, s8  }
0x28: {  	s19 =	sshll.u32 @!p1 s12, $0xF;
	s20 =	sshll.u32 @!p1 s11, $0x4;
	s17 =	sadd.s32 @!p1 s2, s17  }
0x29: {  	s18 =	sshll.u32 @!p1 s18, $0xE;
	s20 =	sand.u32 @!p1 $0x7FF0, s20;
	s17 =	sadd.s32 @!p1 s19, s17  }
0x2a: {  	s18 =	sand.u32 @!p1 $0x4000, s18;
	s19 =	simm.s32 @!p1 $0x0;
	s17 =	sadd.s32 @!p1 s20, s17  }
0x2b: {  	[tilespmem:s18], [sflag:$0x1] =	stream.linear.gather @!p1 [hbm4b:s17+s19], $0x4000, $0x38;
	[tilespmem:$0x10100] =	vst v63  }
0x2c: {  	p1 =	seq.s32 s8, $0x0  }
0x2d: {  	p2 =	seq.s32 @!p1 s8, $0x181  }
0x2e: {  	p1 =	por p1, p2  }
.Ltmp2:
0x2f: {  	_ = 	snop;
	(pc) =	sbr.rel @p1 .LBB1_5-.Ltmp2, $1  }
0x30: {  	_ =	sdelay $0x3  }
0x31: {  	s17 =	simm.s32 $0x1  }
0x32: {  	_ =	swait.ge [sflag:s4], $0x4000;
	s17 =	simm.s32 @!p0 $0x0  }
0x33: {  	[sflag:s4] =	ssyncset.done $0x0;
	s18 =	sshll.u32 s17, $0xE  }
0x34: {  	[sflag:s4] =	ssyncadd.s32 $0xFFFFC000;
	s18 =	sor.u32 $0x40, s18  }
0x35: {  	s17 =	smul.u32 $0x10200, s17;
	v0 =	vld [tilespmem:s18+$0x30]  }
0x36: {  	v1 =	vld [tilespmem:s18+$0xFFFFFFD0]  }
0x37: {  	s17 =	sshrl.u32 s17, $0x2;
	v5 =	vld [tilespmem:s18+$0xFFFFFFE0]  }
0x38: {  	v6 =	vld [tilespmem:s18+$0xFFFFFFF0];
	s20 =	sor.u32 $0x8000, s17  }
0x39: {  	s31 =	sand.u32 $0x1, s8;
	v4 =	vld [tilespmem:s18+$0x0];
	s19 =	sadd.s32 $0x0, s20  }
0x3a: {  	v3 =	vld [tilespmem:s18+$0x10];
	s17 =	smul.u32 $0x10200, s31;
	[tilespmem:s19+$0x3870 ss:$0x81] =	vst.msk $0xffff, v0  }
0x3b: {  	v2 =	vld [tilespmem:s18+$0x20];
	[tilespmem:s19+$0x810 ss:$0x81] =	vst.msk $0xffff, v1  }
0x3c: {  	s17 =	sshrl.u32 s17, $0x2;
	v1 =	vld [tilespmem:s18+$0xFFFFFFC0];
	[tilespmem:s19+$0x1020 ss:$0x81] =	vst.msk $0xffff, v5;
	s18 =	sadd.s32 $0x80, s18  }
0x3d: {  	s21 =	simm.s32 $0x4;
	s22 =	simm.s32 $0x8;
	s17 =	sor.u32 $0x8000, s17;
	[tilespmem:s19+$0x1830 ss:$0x81] =	vst.msk $0xffff, v6;
	v0 =	vld [tilespmem:s18+$0x30]  }
.LBB1_3:
0x3e: {  	p1 =	sne.s32 s22, $0x1FC;
	v5 =	vld [tilespmem:s18+$0xFFFFFFD0];
	[tilespmem:s19+$0x2040 ss:$0x81] =	vst.msk $0xffff, v4  }
0x3f: {  	v6 =	vld [tilespmem:s18+$0xFFFFFFE0];
	[tilespmem:s19+$0x2850 ss:$0x81] =	vst.msk $0xffff, v3  }
0x40: {  	s23 =	sshra.s32 s21, $0x2;
	s21 =	smov.u32 s22;
	v7 =	vld [tilespmem:s18+$0xFFFFFFF0];
	[tilespmem:s19+$0x3060 ss:$0x81] =	vst.msk $0xffff, v2  }
.Ltmp3:
0x41: {  	v4 =	vld [tilespmem:s18+$0x0];
	[tilespmem:s19+$0x0 ss:$0x81] =	vst.msk $0xffff, v1;
	s19 =	sadd.s32 s23, s20;
	(pc) =	sbr.rel @p1 .LBB1_3-.Ltmp3, $4  }
0x42: {  	v3 =	vld [tilespmem:s18+$0x10];
	[tilespmem:s19+$0x3870 ss:$0x81] =	vst.msk $0xffff, v0  }
0x43: {  	[tilespmem:s19+$0x810 ss:$0x81] =	vst.msk $0xffff, v5;
	v2 =	vld [tilespmem:s18+$0x20]  }
0x44: {  	v1 =	vld [tilespmem:s18+$0xFFFFFFC0];
	[tilespmem:s19+$0x1020 ss:$0x81] =	vst.msk $0xffff, v6;
	s18 =	sadd.s32 $0x80, s18  }
0x45: {  	s22 =	sadd.s32 $0x4, s22;
	v0 =	vld [tilespmem:s18+$0x30];
	[tilespmem:s19+$0x1830 ss:$0x81] =	vst.msk $0xffff, v7  }
0x46: {  	s21 =	sshra.s32 s21, $0x2;
	p1 =	sgt.s32 s10, $0x3F  }
0x47: {  	s22 =	smov.u32 s10;
	s24 =	sshra.s32 s10, $0x1F;
	s25 =	smov.u32 s9  }
0x48: {  	s26 =	sshra.s32 s9, $0x1F;
	p3 =	sgt.s32 s7, $0x780;
	s28 =	sshra.s32 s7, $0x1F  }
0x49: {  	s20 =	sadd.s32 s21, s20;
	s21 =	sshll.u32 s7, $0x3;
	s22 =	simm.s32 @!p1 $0x3F  }
0x4a: {  	s24 =	sand.u32 s24, s10;
	p1 =	sgt.s32 s9, $0xB;
	s30 =	sand.u32 s26, s9  }
0x4b: {  	s23 =	sshrl.u32 s21, $0xB;
	s22 =	ssub.s32 s22, s24;
	s25 =	simm.s32 @!p1 $0xB  }
0x4c: {  	s21 =	sand.u32 $0x400, s21;
	s31 =	smulhi.u32 $0x2AAAAAB, s23;
	s27 =	sadd.s32 $0xFFFFFFC1, s22  }
0x4d: {  	v5 =	vld [tilespmem:s18+$0xFFFFFFD0];
	[tilespmem:s19+$0x2040 ss:$0x81] =	vst.msk $0xffff, v4;
	s24 =	ssub.s32 s25, s30;
	s22 =	ssub.s32 $0x40, s22;
	s30 =	sand.u32 $0x78, s7  }
0x4e: {  	v58 =	vld [tilespmem:s18+$0xFFFFFFE0];
	[tilespmem:s19+$0x2850 ss:$0x81] =	vst.msk $0xffff, v3;
	p1 =	sgt.s32 s27, $0x0;
	s25 =	sadd.s32 $0xFFFFFFF5, s24;
	s22 =	smul.u32 $0x60, s22  }
0x4f: {  	v59 =	vld [tilespmem:s18+$0xFFFFFFF0];
	[tilespmem:s19+$0x3060 ss:$0x81] =	vst.msk $0xffff, v2;
	s24 =	ssub.s32 $0xC, s24;
	p2 =	sgt.s32 s25, $0x0;
	s25 =	smov.u32 s7  }
0x50: {  	v60 =	vld [tilespmem:s18+$0x0];
	[tilespmem:s19+$0x0 ss:$0x81] =	vst.msk $0xffff, v1;
	s29 =	smul.u32 $0x60, s31;
	s24 =	simm.s32 @p2 $0x0;
	s22 =	simm.s32 @p1 $0x0  }
0x51: {  	v61 =	vld [tilespmem:s18+$0x10];
	s27 =	sand.u32 s28, s7;
	[tilespmem:s20+$0x3870 ss:$0x81] =	vst.msk $0xffff, v0;
	s25 =	simm.s32 @!p3 $0x780;
	s22 =	smul.u32 s24, s22  }
0x52: {  	v62 =	vld [tilespmem:s18+$0x20];
	s21 =	sor.u32 s30, s21;
	[tilespmem:s20+$0x810 ss:$0x81] =	vst.msk $0xffff, v5;
	s25 =	ssub.s32 s25, s27;
	s27 =	smul.u32 $0x6000, s9  }
0x53: {  	v63 =	vld [tilespmem:s18+$0xFFFFFFC0];
	[tilespmem:s20+$0x1020 ss:$0x81] =	vst.msk $0xffff, v58;
	s31 =	sadd.s32 $0xFFFFF880, s25;
	s18 =	ssub.s32 $0x800, s25;
	s25 =	smul.u32 $0x48000, s10  }
0x54: {  	[tilespmem:s20+$0x1830 ss:$0x81] =	vst.msk $0xffff, v59;
	s19 =	ssub.s32 s23, s29;
	s29 =	sand.u32 $0x7, s7;
	p1 =	sgt.s32 s31, $0x7F  }
.Ltmp4:
0x55: {  	[tilespmem:s20+$0x2040 ss:$0x81] =	vst.msk $0xffff, v60;
	s18 =	simm.s32 @p1 $0x0;
	s28 =	sadd.s32 s3, s25;
	(pc) =	sbr.rel .LBB1_5-.Ltmp4, $4  }
0x56: {  	[tilespmem:s20+$0x2850 ss:$0x81] =	vst.msk $0xffff, v61;
	s19 =	sshll.u32 s19, $0x8;
	s18 =	smul.u32 s18, s22;
	s22 =	sadd.s32 s27, s28  }
0x57: {  	[tilespmem:s20+$0x3060 ss:$0x81] =	vst.msk $0xffff, v62;
	s21 =	sshrl.u32 s21, $0x3;
	s30 =	sshll.u32 s29, $0x12;
	s19 =	sadd.s32 s19, s22  }
0x58: {  	[tilespmem:s20+$0x0 ss:$0x81] =	vst.msk $0xffff, v63;
	s31 =	sor.u32 $0x400, s30;
	s18 =	sand.u32 $0x3FFFFFE0, s18;
	s19 =	sadd.s32 s21, s19  }
0x59: {  	[hbm4b:s19+s31] =	stream.strided.scatter [tilespmem:s17], [sflag:$0x2], s18, s6, s31, $0x20;
	[tilespmem:$0x10100] =	vst v63  }
.LBB1_6:
0x5a: {  	_ =	sfence.sel $0x180000  }
0x5b: {  	s2 =	simm.s32 $0x1;
	[bflag:$0x0] =	sbarrier.arrive $0xFFFF  }
0x5c: {  	s31 =	simm.s32 $0x2;
	[sflag:s2] =	ssyncpa.u1 $0x1  }
0x5d: {  	[sflag:s31] =	ssyncpa.u1 $0x1  }
0x5e: {  	p0 =	sne.s32 s1, $0x0;
	_ =	strace $0x90000047  }
0x5f: {  	s0 =	sadd.s32 @!p0 $0x100000, s0;
	[bflag:$0x2] =	sbarrier.arrive $0xFFFF  }
0x60: {  	[sflag:s0] =	ssyncadd.tile.s32 @!p0 $0x1;
	_ =	shalt  }
.Lfunc_end1:
_tile_overlayer_lowered:
.L_overlay_start_2:
0x61: {  	(tag) =	ssettag $0x2  }
0x62: {  	s0 =	rddreg [dreg:$0x0];
	s2 =	stileid.u32  }
0x63: {  	s1 =	rddreg [dreg:$0x1];
	p0 =	sne.s32 s2, $0x0  }
0x64: {  	s3 =	rddreg [dreg:$0x2];
	[bflag:$0x3] =	sbarrier.arrive $0xFFFF;
	s2 =	simm.s32 @!p0 $0x1C01  }
0x65: {  	[timem:s3], [sflag:s2] =	dma.local @!p0 [hbm:s0], s1  }
0x66: {  	s0 =	simm.s32 @!p0 $0x1  }
0x67: {  	_ =	swait.ge @!p0 [sflag:s0], s1  }
0x68: {  	s1 =	ssub.s32 @!p0 $0x0, s1;
	[sflag:s0] =	ssyncset.done @!p0 $0x0  }
0x69: {  	[sflag:s0] =	ssyncadd.s32 @!p0 s1  }
0x6a: {  	[bflag:$0x3] =	sbarrier.arrive $0xFFFF  }
0x6b: {  	_ =	shalt  }

</sc_bundles>
